<compile_context>
chip_gen: v7x
topology: tpu7x:2x2x1
jax: 0.10.2.dev20260603
libtpu: 0.0.44.dev20260713+nightly
codegen_flags: <defaults>
</compile_context>

<pallas_src>
import functools

import jax
import jax.numpy as jnp
from jax.experimental import pallas as pl
from jax.experimental.pallas import tpu as pltpu
from jax.experimental.pallas import tpu_sc as plsc

N = 2048
D = 768
E = 8
K = 2
NW = 32
TPW = N // NW
LANES = 16
BN = 512
BM = 1024
NEG = float("-inf")


def _front_body(x_ref, wg_ref, bg_ref, we_ref, g_ref, xb_ref, web_ref):
    x_blk = x_ref[...]
    gt = jax.lax.dot_general(
        wg_ref[...], x_blk,
        (((1,), (1,)), ((), ())),
        preferred_element_type=jnp.float32)
    g_ref[...] = gt + bg_ref[...]
    xb_ref[...] = x_blk.astype(jnp.bfloat16)
    web_ref[...] = we_ref[...].astype(jnp.bfloat16)


def _front(x, Wg, bg2, We):
    epb = E // (N // BN)
    return pl.pallas_call(
        _front_body,
        grid=(N // BN,),
        in_specs=[
            pl.BlockSpec((BN, D), lambda n: (n, 0)),
            pl.BlockSpec((E, D), lambda n: (0, 0)),
            pl.BlockSpec((E, 1), lambda n: (0, 0)),
            pl.BlockSpec((epb, D, D), lambda n: (n, 0, 0)),
        ],
        out_specs=[
            pl.BlockSpec((E, BN), lambda n: (0, n)),
            pl.BlockSpec((BN, D), lambda n: (n, 0)),
            pl.BlockSpec((epb, D, D), lambda n: (n, 0, 0)),
        ],
        out_shape=[
            jax.ShapeDtypeStruct((E, N), jnp.float32),
            jax.ShapeDtypeStruct((N, D), jnp.bfloat16),
            jax.ShapeDtypeStruct((E, D, D), jnp.bfloat16),
        ],
        compiler_params=pltpu.CompilerParams(
            dimension_semantics=("arbitrary",)),
    )(x, Wg, bg2, We)


def _route_body_trivial(g_hbm, out_hbm, g_vmem, cnt_vmem, dma_sem):
    wid = jax.lax.axis_index("s") * 2 + jax.lax.axis_index("c")
    pltpu.async_copy(g_hbm.at[0, pl.ds(wid * TPW, TPW)],
                     g_vmem.at[0], dma_sem).wait()
    z = g_vmem[0, pl.ds(0, LANES)]
    for e in range(E):
        cnt_vmem[e, :] = z
    pltpu.sync_copy(cnt_vmem, out_hbm.at[wid])


def _route_body(g_hbm, out_hbm, g_vmem, cnt_vmem, dma_sem):
    wid = jax.lax.axis_index("s") * 2 + jax.lax.axis_index("c")
    copies = [
        pltpu.async_copy(g_hbm.at[e, pl.ds(wid * TPW, TPW)],
                         g_vmem.at[e], dma_sem)
        for e in range(E)
    ]
    for cp in copies:
        cp.wait()
    cnt = [jnp.zeros((LANES,), jnp.float32) for _ in range(E)]
    for c in range(TPW // LANES):
        v = [g_vmem[e, pl.ds(c * LANES, LANES)] for e in range(E)]
        m1 = v[0]
        for e in range(1, E):
            m1 = jnp.maximum(m1, v[e])
        i1 = jnp.full((LANES,), E, jnp.int32)
        for e in range(E - 1, -1, -1):
            i1 = jnp.where(v[e] == m1, jnp.int32(e), i1)
        v2 = [jnp.where(i1 == e, NEG, v[e]) for e in range(E)]
        m2 = v2[0]
        for e in range(1, E):
            m2 = jnp.maximum(m2, v2[e])
        i2 = jnp.full((LANES,), E, jnp.int32)
        for e in range(E - 1, -1, -1):
            i2 = jnp.where(v2[e] == m2, jnp.int32(e), i2)
        one = jnp.float32(1.0)
        zero = jnp.float32(0.0)
        for e in range(E):
            cnt[e] = cnt[e] + jnp.where(i1 == e, one, zero) \
                            + jnp.where(i2 == e, one, zero)
    for e in range(E):
        cnt_vmem[e, :] = cnt[e]
    pltpu.sync_copy(cnt_vmem, out_hbm.at[wid])


def _route(gateT):
    mesh = plsc.VectorSubcoreMesh(core_axis_name="c", subcore_axis_name="s")
    k = functools.partial(
        pl.kernel,
        out_type=jax.ShapeDtypeStruct((NW, E, LANES), jnp.float32),
        mesh=mesh,
        scratch_types=[
            pltpu.VMEM((E, TPW), jnp.float32),
            pltpu.VMEM((E, LANES), jnp.float32),
            pltpu.SemaphoreType.DMA,
        ],
    )(_route_body_trivial)
    return k(gateT)


def _moe_body(xb_ref, we_ref, be_ref, p_ref, out_ref):
    inv_total = jnp.float32(1.0 / (N * K))
    acc = jnp.zeros(out_ref.shape, jnp.bfloat16)
    for e in range(E):
        w = jnp.sum(p_ref[:, e, :]) * inv_total
        y = jax.lax.dot_general(
            xb_ref[...], we_ref[e],
            (((1,), (1,)), ((), ())),
            preferred_element_type=jnp.float32)
        y = y.astype(jnp.bfloat16) + be_ref[e][None, :]
        acc = acc + jnp.maximum(y, 0.0) * w.astype(jnp.bfloat16)
    out_ref[...] = acc.astype(jnp.float32)


def _moe(xb, Web, beb, partials):
    return pl.pallas_call(
        _moe_body,
        grid=(N // BM,),
        in_specs=[
            pl.BlockSpec((BM, D), lambda n: (n, 0)),
            pl.BlockSpec((E, D, D), lambda n: (0, 0, 0)),
            pl.BlockSpec((E, D), lambda n: (0, 0)),
            pl.BlockSpec((NW, E, LANES), lambda n: (0, 0, 0)),
        ],
        out_specs=pl.BlockSpec((BM, D), lambda n: (n, 0)),
        out_shape=jax.ShapeDtypeStruct((N, D), jnp.float32),
        compiler_params=pltpu.CompilerParams(
            dimension_semantics=("arbitrary",)),
    )(xb, Web, beb, partials)


def kernel(x, Wg, bg, We, be):
    gateT, xb, Web = _front(x, Wg, bg.reshape(E, 1), We)
    partials = _route(gateT)
    return _moe(xb, Web, be.astype(jnp.bfloat16), partials)

# --- scband reference (transcript-rebuilt; emitter-appended) ---
"""Pipeline reference for scband-mo-e-4355096838544 (READ-ONLY COPY).

The authoritative reference and input builder live on the scoring server;
editing this copy changes nothing except your own understanding.
"""

import jax, jax.numpy as jnp
import numpy as np

N = 2048
D = 768
E = 8
K = 2


def setup_inputs(seed: int = 0) -> dict:
    key = jax.random.key(seed)
    ks = jax.random.split(key, 4)
    x = jax.random.normal(ks[0], (N, D), dtype=jnp.float32)
    # gate: nn.Linear(d_model, num_experts) -> weight [E, D], bias [E]
    Wg = jax.random.normal(ks[1], (E, D), dtype=jnp.float32) * (1.0 / np.sqrt(D))
    bg = jnp.zeros((E,), dtype=jnp.float32)
    # experts: E x nn.Linear(d_model, d_model) -> weights [E, D, D] (out, in), biases [E, D]
    We = jax.random.normal(ks[2], (E, D, D), dtype=jnp.float32) * (1.0 / np.sqrt(D))
    be = jnp.zeros((E, D), dtype=jnp.float32)
    return {"x": x, "Wg": Wg, "bg": bg, "We": We, "be": be}


def reference(x, Wg, bg, We, be):
    # gate_outputs = self.gate(x)  -> [N, E]
    gate_outputs = x @ Wg.T + bg
    # top_k_indices = topk(...).indices.view(-1)  -> [N*K] int
    _, idx = jax.lax.top_k(gate_outputs, K)
    flat_idx = idx.reshape(-1)
    total = flat_idx.shape[0]  # N*K
    # The torch code applies expert[i] to the FULL x for every flattened index,
    # stacks [N*K, N, D] and means over dim 0. Since each expert output is
    # identical for repeated indices, mean over the stack equals the
    # count-weighted average of the E distinct expert outputs (same math,
    # avoids materializing the [N*K, N, D] stack).
    counts = jnp.bincount(flat_idx, length=E).astype(x.dtype)  # [E]
    # expert_out[e] = relu(x @ We[e].T + be[e])  -> [E, N, D]
    expert_outs = jax.nn.relu(jnp.einsum('nd,efd->enf', x, We) + be[:, None, :])
    out = jnp.einsum('e,enf->nf', counts, expert_outs) / float(total)
    return out

if __name__ == "__main__":
    import jax
    _d = setup_inputs()
    print(jax.jit(kernel)(*tuple(_d.values())))

</pallas_src>

<mosaic_0001>
#map = affine_map<(d0, d1) -> (0, 0)>
#map1 = affine_map<(d0, d1) -> (0, 0, 0)>
module attributes {stable_mosaic.version = 14 : i64} {
  func.func @_route_body_trivial(%arg0: i32, %arg1: i32, %arg2: memref<8x2048xf32, #tpu.memory_space<hbm>>, %arg3: memref<32x8x16xf32, #tpu.memory_space<hbm>>, %arg4: memref<8x64xf32, #tpu.memory_space<vmem>>, %arg5: memref<8x16xf32, #tpu.memory_space<vmem>>, %arg6: memref<!tpu.dma_semaphore, #tpu.memory_space<semaphore_mem>>) attributes {dimension_semantics = [#tpu.dimension_semantics<core_parallel>, #tpu.dimension_semantics<subcore_parallel>], iteration_bounds = array<i64: 2, 16>, scalar_prefetch = 0 : i64, scratch_operands = 3 : i64, tpu.core_type = #tpu.core_type<sc_vector_subcore>, window_params = [{transform_indices = #map}, {transform_indices = #map1}]} {
    %mul3A = arith.constant 2 : i32
    %mul3A_0 = arith.muli %arg1, %mul3A : i32
    %add3A = arith.addi %mul3A_0, %arg0 : i32
    %mul3A_1 = arith.constant 64 : i32
    %mul3A_2 = arith.muli %add3A, %mul3A_1 : i32
    %dma_start3A = arith.constant 0 : i32
    %dma_start3A_3 = arith.constant 0 : i32
    %dma_start3A_4 = arith.constant 0 : i32
    %dma_start3A_5 = tpu.memref_slice %arg4[%dma_start3A_3, %dma_start3A_4] : memref<8x64xf32, #tpu.memory_space<vmem>> -> memref<1x64xf32, #tpu.memory_space<vmem>>
    %dma_start3A_6 = tpu.memref_squeeze %dma_start3A_5 : memref<1x64xf32, #tpu.memory_space<vmem>> -> memref<64xf32, #tpu.memory_space<vmem>>
    %dma_start3A_7 = tpu.memref_slice %arg2[%dma_start3A, %mul3A_2] : memref<8x2048xf32, #tpu.memory_space<hbm>> -> memref<1x64xf32, #tpu.memory_space<hbm>>
    %dma_start3A_8 = tpu.memref_squeeze %dma_start3A_7 : memref<1x64xf32, #tpu.memory_space<hbm>> -> memref<64xf32, #tpu.memory_space<hbm>>
    %dma_start3A_9 = arith.constant 0 : i32
    %dma_start3A_10 = tpu.memref_slice %arg4[%dma_start3A_3, %dma_start3A_9] : memref<8x64xf32, #tpu.memory_space<vmem>> -> memref<1x64xf32, #tpu.memory_space<vmem>>
    %dma_start3A_11 = tpu.memref_squeeze %dma_start3A_10 : memref<1x64xf32, #tpu.memory_space<vmem>> -> memref<64xf32, #tpu.memory_space<vmem>>
    %dma_start3A_12 = tpu.memref_slice %arg2[%dma_start3A, %mul3A_2] : memref<8x2048xf32, #tpu.memory_space<hbm>> -> memref<1x64xf32, #tpu.memory_space<hbm>>
    %dma_start3A_13 = tpu.memref_squeeze %dma_start3A_12 : memref<1x64xf32, #tpu.memory_space<hbm>> -> memref<64xf32, #tpu.memory_space<hbm>>
    tpu.enqueue_dma source(%dma_start3A_13 : memref<64xf32, #tpu.memory_space<hbm>>) target(%dma_start3A_11 : memref<64xf32, #tpu.memory_space<vmem>>) target_semaphore(%arg6 : memref<!tpu.dma_semaphore, #tpu.memory_space<semaphore_mem>>)
    %dma_wait3A = arith.constant 0 : i32
    %dma_wait3A_14 = arith.constant 0 : i32
    %dma_wait3A_15 = arith.constant 0 : i32
    %dma_wait3A_16 = tpu.memref_slice %arg4[%dma_wait3A_14, %dma_wait3A_15] : memref<8x64xf32, #tpu.memory_space<vmem>> -> memref<1x64xf32, #tpu.memory_space<vmem>>
    %dma_wait3A_17 = tpu.memref_squeeze %dma_wait3A_16 : memref<1x64xf32, #tpu.memory_space<vmem>> -> memref<64xf32, #tpu.memory_space<vmem>>
    %dma_wait3A_18 = tpu.memref_slice %arg2[%dma_wait3A, %mul3A_2] : memref<8x2048xf32, #tpu.memory_space<hbm>> -> memref<1x64xf32, #tpu.memory_space<hbm>>
    %dma_wait3A_19 = tpu.memref_squeeze %dma_wait3A_18 : memref<1x64xf32, #tpu.memory_space<hbm>> -> memref<64xf32, #tpu.memory_space<hbm>>
    %dma_wait3A_20 = arith.constant 0 : i32
    %dma_wait3A_21 = tpu.memref_slice %arg4[%dma_wait3A_14, %dma_wait3A_20] : memref<8x64xf32, #tpu.memory_space<vmem>> -> memref<1x64xf32, #tpu.memory_space<vmem>>
    %dma_wait3A_22 = tpu.memref_squeeze %dma_wait3A_21 : memref<1x64xf32, #tpu.memory_space<vmem>> -> memref<64xf32, #tpu.memory_space<vmem>>
    %dma_wait3A_23 = tpu.memref_slice %arg2[%dma_wait3A, %mul3A_2] : memref<8x2048xf32, #tpu.memory_space<hbm>> -> memref<1x64xf32, #tpu.memory_space<hbm>>
    %dma_wait3A_24 = tpu.memref_squeeze %dma_wait3A_23 : memref<1x64xf32, #tpu.memory_space<hbm>> -> memref<64xf32, #tpu.memory_space<hbm>>
    tpu.wait_dma2 semaphore(%arg6 : memref<!tpu.dma_semaphore, #tpu.memory_space<semaphore_mem>>) src(%dma_wait3A_24 : memref<64xf32, #tpu.memory_space<hbm>>) dst(%dma_wait3A_22 : memref<64xf32, #tpu.memory_space<vmem>>)
    %get3A = arith.constant 0 : i32
    %get3A_25 = arith.index_cast %get3A : i32 to index
    %get3A_26 = arith.constant 0 : index
    %get3A_27 = tpu.vector_load %arg4[%get3A_25, %get3A_26] {strides = array<i32>} : memref<8x64xf32, #tpu.memory_space<vmem>>, vector<1x16xf32>,
    %get3A_28 = vector.shape_cast %get3A_27 : vector<1x16xf32> to vector<16xf32>
    %swap3A = arith.constant 0 : i32
    %swap3A_29 = arith.index_cast %swap3A : i32 to index
    %swap3A_30 = arith.constant 0 : index
    %swap3A_31 = tpu.vector_load %arg5[%swap3A_29, %swap3A_30] {strides = array<i32>} : memref<8x16xf32, #tpu.memory_space<vmem>>, vector<1x16xf32>,
    %swap3A_32 = vector.shape_cast %swap3A_31 : vector<1x16xf32> to vector<16xf32>
    %swap3A_33 = vector.shape_cast %get3A_28 : vector<16xf32> to vector<1x16xf32>
    tpu.vector_store %arg5[%swap3A_29, %swap3A_30], %swap3A_33 {strides = array<i32>} : memref<8x16xf32, #tpu.memory_space<vmem>>, vector<1x16xf32>,
    %swap3A_34 = arith.constant 1 : i32
    %swap3A_35 = arith.index_cast %swap3A_34 : i32 to index
    %swap3A_36 = arith.constant 0 : index
    %swap3A_37 = tpu.vector_load %arg5[%swap3A_35, %swap3A_36] {strides = array<i32>} : memref<8x16xf32, #tpu.memory_space<vmem>>, vector<1x16xf32>,
    %swap3A_38 = vector.shape_cast %swap3A_37 : vector<1x16xf32> to vector<16xf32>
    %swap3A_39 = vector.shape_cast %get3A_28 : vector<16xf32> to vector<1x16xf32>
    tpu.vector_store %arg5[%swap3A_35, %swap3A_36], %swap3A_39 {strides = array<i32>} : memref<8x16xf32, #tpu.memory_space<vmem>>, vector<1x16xf32>,
    %swap3A_40 = arith.constant 2 : i32
    %swap3A_41 = arith.index_cast %swap3A_40 : i32 to index
    %swap3A_42 = arith.constant 0 : index
    %swap3A_43 = tpu.vector_load %arg5[%swap3A_41, %swap3A_42] {strides = array<i32>} : memref<8x16xf32, #tpu.memory_space<vmem>>, vector<1x16xf32>,
    %swap3A_44 = vector.shape_cast %swap3A_43 : vector<1x16xf32> to vector<16xf32>
    %swap3A_45 = vector.shape_cast %get3A_28 : vector<16xf32> to vector<1x16xf32>
    tpu.vector_store %arg5[%swap3A_41, %swap3A_42], %swap3A_45 {strides = array<i32>} : memref<8x16xf32, #tpu.memory_space<vmem>>, vector<1x16xf32>,
    %swap3A_46 = arith.constant 3 : i32
    %swap3A_47 = arith.index_cast %swap3A_46 : i32 to index
    %swap3A_48 = arith.constant 0 : index
    %swap3A_49 = tpu.vector_load %arg5[%swap3A_47, %swap3A_48] {strides = array<i32>} : memref<8x16xf32, #tpu.memory_space<vmem>>, vector<1x16xf32>,
    %swap3A_50 = vector.shape_cast %swap3A_49 : vector<1x16xf32> to vector<16xf32>
    %swap3A_51 = vector.shape_cast %get3A_28 : vector<16xf32> to vector<1x16xf32>
    tpu.vector_store %arg5[%swap3A_47, %swap3A_48], %swap3A_51 {strides = array<i32>} : memref<8x16xf32, #tpu.memory_space<vmem>>, vector<1x16xf32>,
    %swap3A_52 = arith.constant 4 : i32
    %swap3A_53 = arith.index_cast %swap3A_52 : i32 to index
    %swap3A_54 = arith.constant 0 : index
    %swap3A_55 = tpu.vector_load %arg5[%swap3A_53, %swap3A_54] {strides = array<i32>} : memref<8x16xf32, #tpu.memory_space<vmem>>, vector<1x16xf32>,
    %swap3A_56 = vector.shape_cast %swap3A_55 : vector<1x16xf32> to vector<16xf32>
    %swap3A_57 = vector.shape_cast %get3A_28 : vector<16xf32> to vector<1x16xf32>
    tpu.vector_store %arg5[%swap3A_53, %swap3A_54], %swap3A_57 {strides = array<i32>} : memref<8x16xf32, #tpu.memory_space<vmem>>, vector<1x16xf32>,
    %swap3A_58 = arith.constant 5 : i32
    %swap3A_59 = arith.index_cast %swap3A_58 : i32 to index
    %swap3A_60 = arith.constant 0 : index
    %swap3A_61 = tpu.vector_load %arg5[%swap3A_59, %swap3A_60] {strides = array<i32>} : memref<8x16xf32, #tpu.memory_space<vmem>>, vector<1x16xf32>,
    %swap3A_62 = vector.shape_cast %swap3A_61 : vector<1x16xf32> to vector<16xf32>
    %swap3A_63 = vector.shape_cast %get3A_28 : vector<16xf32> to vector<1x16xf32>
    tpu.vector_store %arg5[%swap3A_59, %swap3A_60], %swap3A_63 {strides = array<i32>} : memref<8x16xf32, #tpu.memory_space<vmem>>, vector<1x16xf32>,
    %swap3A_64 = arith.constant 6 : i32
    %swap3A_65 = arith.index_cast %swap3A_64 : i32 to index
    %swap3A_66 = arith.constant 0 : index
    %swap3A_67 = tpu.vector_load %arg5[%swap3A_65, %swap3A_66] {strides = array<i32>} : memref<8x16xf32, #tpu.memory_space<vmem>>, vector<1x16xf32>,
    %swap3A_68 = vector.shape_cast %swap3A_67 : vector<1x16xf32> to vector<16xf32>
    %swap3A_69 = vector.shape_cast %get3A_28 : vector<16xf32> to vector<1x16xf32>
    tpu.vector_store %arg5[%swap3A_65, %swap3A_66], %swap3A_69 {strides = array<i32>} : memref<8x16xf32, #tpu.memory_space<vmem>>, vector<1x16xf32>,
    %swap3A_70 = arith.constant 7 : i32
    %swap3A_71 = arith.index_cast %swap3A_70 : i32 to index
    %swap3A_72 = arith.constant 0 : index
    %swap3A_73 = tpu.vector_load %arg5[%swap3A_71, %swap3A_72] {strides = array<i32>} : memref<8x16xf32, #tpu.memory_space<vmem>>, vector<1x16xf32>,
    %swap3A_74 = vector.shape_cast %swap3A_73 : vector<1x16xf32> to vector<16xf32>
    %swap3A_75 = vector.shape_cast %get3A_28 : vector<16xf32> to vector<1x16xf32>
    tpu.vector_store %arg5[%swap3A_71, %swap3A_72], %swap3A_75 {strides = array<i32>} : memref<8x16xf32, #tpu.memory_space<vmem>>, vector<1x16xf32>,
    "tpu.region"() ({
      %run_scoped3A = tpu.sem_alloc : memref<!tpu.dma_semaphore, #tpu.memory_space<semaphore_mem>>
      %dma_start3A_76 = arith.constant 0 : i32
      %dma_start3A_77 = arith.constant 0 : i32
      %dma_start3A_78 = tpu.memref_slice %arg3[%add3A, %dma_start3A_76, %dma_start3A_77] : memref<32x8x16xf32, #tpu.memory_space<hbm>> -> memref<1x8x16xf32, #tpu.memory_space<hbm>>
      %dma_start3A_79 = tpu.memref_squeeze %dma_start3A_78 : memref<1x8x16xf32, #tpu.memory_space<hbm>> -> memref<8x16xf32, #tpu.memory_space<hbm>>
      %dma_start3A_80 = arith.constant 0 : i32
      %dma_start3A_81 = arith.constant 0 : i32
      %dma_start3A_82 = tpu.memref_slice %arg3[%add3A, %dma_start3A_80, %dma_start3A_81] : memref<32x8x16xf32, #tpu.memory_space<hbm>> -> memref<1x8x16xf32, #tpu.memory_space<hbm>>
      %dma_start3A_83 = tpu.memref_squeeze %dma_start3A_82 : memref<1x8x16xf32, #tpu.memory_space<hbm>> -> memref<8x16xf32, #tpu.memory_space<hbm>>
      tpu.enqueue_dma source(%arg5 : memref<8x16xf32, #tpu.memory_space<vmem>>) target(%dma_start3A_83 : memref<8x16xf32, #tpu.memory_space<hbm>>) target_semaphore(%run_scoped3A : memref<!tpu.dma_semaphore, #tpu.memory_space<semaphore_mem>>)
      %dma_wait3A_84 = arith.constant 0 : i32
      %dma_wait3A_85 = arith.constant 0 : i32
      %dma_wait3A_86 = tpu.memref_slice %arg3[%add3A, %dma_wait3A_84, %dma_wait3A_85] : memref<32x8x16xf32, #tpu.memory_space<hbm>> -> memref<1x8x16xf32, #tpu.memory_space<hbm>>
      %dma_wait3A_87 = tpu.memref_squeeze %dma_wait3A_86 : memref<1x8x16xf32, #tpu.memory_space<hbm>> -> memref<8x16xf32, #tpu.memory_space<hbm>>
      %dma_wait3A_88 = arith.constant 0 : i32
      %dma_wait3A_89 = arith.constant 0 : i32
      %dma_wait3A_90 = tpu.memref_slice %arg3[%add3A, %dma_wait3A_88, %dma_wait3A_89] : memref<32x8x16xf32, #tpu.memory_space<hbm>> -> memref<1x8x16xf32, #tpu.memory_space<hbm>>
      %dma_wait3A_91 = tpu.memref_squeeze %dma_wait3A_90 : memref<1x8x16xf32, #tpu.memory_space<hbm>> -> memref<8x16xf32, #tpu.memory_space<hbm>>
      tpu.wait_dma2 semaphore(%run_scoped3A : memref<!tpu.dma_semaphore, #tpu.memory_space<semaphore_mem>>) src(%arg5 : memref<8x16xf32, #tpu.memory_space<vmem>>) dst(%dma_wait3A_91 : memref<8x16xf32, #tpu.memory_space<hbm>>)
      tpu.yield
    }) : () -> ()
    return
  }
}

module attributes {stable_mosaic.version = 14 : i64} {
  func.func @_moe_body(%arg0: i32, %arg1: memref<1024x768xbf16, #tpu.memory_space<vmem>>, %arg2: memref<8x768x768xbf16, #tpu.memory_space<vmem>>, %arg3: memref<8x768xbf16, #tpu.memory_space<vmem>>, %arg4: memref<32x8x16xf32, #tpu.memory_space<vmem>>, %arg5: memref<1024x768xf32, #tpu.memory_space<vmem>>) attributes {dimension_semantics = [#tpu.dimension_semantics<arbitrary>], iteration_bounds = array<i64: 2>, scalar_prefetch = 0 : i64, scratch_operands = 0 : i64, tpu.core_type = #tpu.core_type<tc>, window_params = [{transform_indices = @transform_0, window_bounds = array<i64: 1024, 768>}, {pipeline_mode = #tpu.pipeline_mode<synchronous>, transform_indices = @transform_1, window_bounds = array<i64: 8, 768, 768>}, {pipeline_mode = #tpu.pipeline_mode<synchronous>, transform_indices = @transform_2, window_bounds = array<i64: 8, 768>}, {pipeline_mode = #tpu.pipeline_mode<synchronous>, transform_indices = @transform_3, window_bounds = array<i64: 32, 8, 16>}, {transform_indices = @transform_4, window_bounds = array<i64: 1024, 768>}]} {
    %broadcast_in_dim3A = arith.constant 0.000000e+00 : bf16
    %broadcast_in_dim3A_0 = vector.broadcast %broadcast_in_dim3A : bf16 to vector<1024x768xbf16>
    %get3A = arith.constant 0 : index
    %get3A_1 = arith.constant 0 : index
    %get3A_2 = arith.constant 0 : index
    %get3A_3 = vector.load %arg4[%get3A, %get3A_1, %get3A_2] : memref<32x8x16xf32, #tpu.memory_space<vmem>>, vector<32x1x16xf32>
    %get3A_4 = vector.shape_cast %get3A_3 : vector<32x1x16xf32> to vector<32x16xf32>
    %reduce_sum3A = vector.shape_cast %get3A_4 : vector<32x16xf32> to vector<1x32x16xf32>
    %reduce_sum3A_5 = arith.constant dense<0.000000e+00> : vector<1xf32>
    %reduce_sum3A_6 = vector.multi_reduction <add>, %reduce_sum3A, %reduce_sum3A_5 [1, 2] : vector<1x32x16xf32> to vector<1xf32>
    %reduce_sum3A_7 = vector.shape_cast %reduce_sum3A_6 : vector<1xf32> to vector<1x1x1xf32>
    %reduce_sum3A_8 = vector.extract %reduce_sum3A_7[0, 0, 0] : f32 from vector<1x1x1xf32>
    %mul3A = arith.constant 2.44140625E-4 : f32
    %mul3A_9 = arith.mulf %reduce_sum3A_8, %mul3A : f32
    %get3A_10 = arith.constant 0 : index
    %get3A_11 = arith.constant 0 : index
    %get3A_12 = vector.load %arg1[%get3A_10, %get3A_11] : memref<1024x768xbf16, #tpu.memory_space<vmem>>, vector<1024x768xbf16>
    %get3A_13 = arith.constant 0 : index
    %get3A_14 = arith.constant 0 : index
    %get3A_15 = arith.constant 0 : index
    %get3A_16 = vector.load %arg2[%get3A_13, %get3A_14, %get3A_15] : memref<8x768x768xbf16, #tpu.memory_space<vmem>>, vector<1x768x768xbf16>
    %get3A_17 = vector.shape_cast %get3A_16 : vector<1x768x768xbf16> to vector<768x768xbf16>
    %dot_general3A = arith.constant dense<0.000000e+00> : vector<1024x768xf32>
    %dot_general3A_18 = tpu.matmul %get3A_12, %get3A_17, %dot_general3A {dimension_numbers = #tpu.dot_dimension_numbers<[1], [1], [0], [0], [0, 0, 1, 0], [], []>, transpose_lhs_hint = false} : vector<1024x768xbf16>, vector<768x768xbf16>, vector<1024x768xf32> -> vector<1024x768xf32>
    %convert_element_type3A = arith.truncf %dot_general3A_18 : vector<1024x768xf32> to vector<1024x768xbf16>
    %get3A_19 = arith.constant 0 : index
    %get3A_20 = arith.constant 0 : index
    %get3A_21 = vector.load %arg3[%get3A_19, %get3A_20] : memref<8x768xbf16, #tpu.memory_space<vmem>>, vector<1x768xbf16>
    %get3A_22 = vector.shape_cast %get3A_21 : vector<1x768xbf16> to vector<768xbf16>
    %broadcast_in_dim3A_23 = vector.shape_cast %get3A_22 : vector<768xbf16> to vector<1x768xbf16>
    %add3A = vector.broadcast %broadcast_in_dim3A_23 : vector<1x768xbf16> to vector<1024x768xbf16>
    %add3A_24 = arith.addf %convert_element_type3A, %add3A : vector<1024x768xbf16>
    %max3A = arith.constant 0.000000e+00 : bf16
    %max3A_25 = vector.broadcast %max3A : bf16 to vector<1024x768xbf16>
    %max3A_26 = arith.maximumf %add3A_24, %max3A_25 : vector<1024x768xbf16>
    %convert_element_type3A_27 = arith.truncf %mul3A_9 : f32 to bf16
    %mul3A_28 = vector.broadcast %convert_element_type3A_27 : bf16 to vector<1024x768xbf16>
    %mul3A_29 = arith.mulf %max3A_26, %mul3A_28 : vector<1024x768xbf16>
    %add3A_30 = arith.addf %broadcast_in_dim3A_0, %mul3A_29 : vector<1024x768xbf16>
    %get3A_31 = arith.constant 0 : index
    %get3A_32 = arith.constant 1 : index
    %get3A_33 = arith.constant 0 : index
    %get3A_34 = vector.load %arg4[%get3A_31, %get3A_32, %get3A_33] : memref<32x8x16xf32, #tpu.memory_space<vmem>>, vector<32x1x16xf32>
    %get3A_35 = vector.shape_cast %get3A_34 : vector<32x1x16xf32> to vector<32x16xf32>
    %reduce_sum3A_36 = vector.shape_cast %get3A_35 : vector<32x16xf32> to vector<1x32x16xf32>
    %reduce_sum3A_37 = arith.constant dense<0.000000e+00> : vector<1xf32>
    %reduce_sum3A_38 = vector.multi_reduction <add>, %reduce_sum3A_36, %reduce_sum3A_37 [1, 2] : vector<1x32x16xf32> to vector<1xf32>
    %reduce_sum3A_39 = vector.shape_cast %reduce_sum3A_38 : vector<1xf32> to vector<1x1x1xf32>
    %reduce_sum3A_40 = vector.extract %reduce_sum3A_39[0, 0, 0] : f32 from vector<1x1x1xf32>
    %mul3A_41 = arith.constant 2.44140625E-4 : f32
    %mul3A_42 = arith.mulf %reduce_sum3A_40, %mul3A_41 : f32
    %get3A_43 = arith.constant 0 : index
    %get3A_44 = arith.constant 0 : index
    %get3A_45 = vector.load %arg1[%get3A_43, %get3A_44] : memref<1024x768xbf16, #tpu.memory_space<vmem>>, vector<1024x768xbf16>
    %get3A_46 = arith.constant 1 : index
    %get3A_47 = arith.constant 0 : index
    %get3A_48 = arith.constant 0 : index
    %get3A_49 = vector.load %arg2[%get3A_46, %get3A_47, %get3A_48] : memref<8x768x768xbf16, #tpu.memory_space<vmem>>, vector<1x768x768xbf16>
    %get3A_50 = vector.shape_cast %get3A_49 : vector<1x768x768xbf16> to vector<768x768xbf16>
    %dot_general3A_51 = arith.constant dense<0.000000e+00> : vector<1024x768xf32>
    %dot_general3A_52 = tpu.matmul %get3A_45, %get3A_50, %dot_general3A_51 {dimension_numbers = #tpu.dot_dimension_numbers<[1], [1], [0], [0], [0, 0, 1, 0], [], []>, transpose_lhs_hint = false} : vector<1024x768xbf16>, vector<768x768xbf16>, vector<1024x768xf32> -> vector<1024x768xf32>
    %convert_element_type3A_53 = arith.truncf %dot_general3A_52 : vector<1024x768xf32> to vector<1024x768xbf16>
    %get3A_54 = arith.constant 1 : index
    %get3A_55 = arith.constant 0 : index
    %get3A_56 = vector.load %arg3[%get3A_54, %get3A_55] : memref<8x768xbf16, #tpu.memory_space<vmem>>, vector<1x768xbf16>
    %get3A_57 = vector.shape_cast %get3A_56 : vector<1x768xbf16> to vector<768xbf16>
    %broadcast_in_dim3A_58 = vector.shape_cast %get3A_57 : vector<768xbf16> to vector<1x768xbf16>
    %add3A_59 = vector.broadcast %broadcast_in_dim3A_58 : vector<1x768xbf16> to vector<1024x768xbf16>
    %add3A_60 = arith.addf %convert_element_type3A_53, %add3A_59 : vector<1024x768xbf16>
    %max3A_61 = arith.constant 0.000000e+00 : bf16
    %max3A_62 = vector.broadcast %max3A_61 : bf16 to vector<1024x768xbf16>
    %max3A_63 = arith.maximumf %add3A_60, %max3A_62 : vector<1024x768xbf16>
    %convert_element_type3A_64 = arith.truncf %mul3A_42 : f32 to bf16
    %mul3A_65 = vector.broadcast %convert_element_type3A_64 : bf16 to vector<1024x768xbf16>
    %mul3A_66 = arith.mulf %max3A_63, %mul3A_65 : vector<1024x768xbf16>
    %add3A_67 = arith.addf %add3A_30, %mul3A_66 : vector<1024x768xbf16>
    %get3A_68 = arith.constant 0 : index
    %get3A_69 = arith.constant 2 : index
    %get3A_70 = arith.constant 0 : index
    %get3A_71 = vector.load %arg4[%get3A_68, %get3A_69, %get3A_70] : memref<32x8x16xf32, #tpu.memory_space<vmem>>, vector<32x1x16xf32>
    %get3A_72 = vector.shape_cast %get3A_71 : vector<32x1x16xf32> to vector<32x16xf32>
    %reduce_sum3A_73 = vector.shape_cast %get3A_72 : vector<32x16xf32> to vector<1x32x16xf32>
    %reduce_sum3A_74 = arith.constant dense<0.000000e+00> : vector<1xf32>
    %reduce_sum3A_75 = vector.multi_reduction <add>, %reduce_sum3A_73, %reduce_sum3A_74 [1, 2] : vector<1x32x16xf32> to vector<1xf32>
    %reduce_sum3A_76 = vector.shape_cast %reduce_sum3A_75 : vector<1xf32> to vector<1x1x1xf32>
    %reduce_sum3A_77 = vector.extract %reduce_sum3A_76[0, 0, 0] : f32 from vector<1x1x1xf32>
    %mul3A_78 = arith.constant 2.44140625E-4 : f32
    %mul3A_79 = arith.mulf %reduce_sum3A_77, %mul3A_78 : f32
    %get3A_80 = arith.constant 0 : index
    %get3A_81 = arith.constant 0 : index
    %get3A_82 = vector.load %arg1[%get3A_80, %get3A_81] : memref<1024x768xbf16, #tpu.memory_space<vmem>>, vector<1024x768xbf16>
    %get3A_83 = arith.constant 2 : index
    %get3A_84 = arith.constant 0 : index
    %get3A_85 = arith.constant 0 : index
    %get3A_86 = vector.load %arg2[%get3A_83, %get3A_84, %get3A_85] : memref<8x768x768xbf16, #tpu.memory_space<vmem>>, vector<1x768x768xbf16>
    %get3A_87 = vector.shape_cast %get3A_86 : vector<1x768x768xbf16> to vector<768x768xbf16>
    %dot_general3A_88 = arith.constant dense<0.000000e+00> : vector<1024x768xf32>
    %dot_general3A_89 = tpu.matmul %get3A_82, %get3A_87, %dot_general3A_88 {dimension_numbers = #tpu.dot_dimension_numbers<[1], [1], [0], [0], [0, 0, 1, 0], [], []>, transpose_lhs_hint = false} : vector<1024x768xbf16>, vector<768x768xbf16>, vector<1024x768xf32> -> vector<1024x768xf32>
    %convert_element_type3A_90 = arith.truncf %dot_general3A_89 : vector<1024x768xf32> to vector<1024x768xbf16>
    %get3A_91 = arith.constant 2 : index
    %get3A_92 = arith.constant 0 : index
    %get3A_93 = vector.load %arg3[%get3A_91, %get3A_92] : memref<8x768xbf16, #tpu.memory_space<vmem>>, vector<1x768xbf16>
    %get3A_94 = vector.shape_cast %get3A_93 : vector<1x768xbf16> to vector<768xbf16>
    %broadcast_in_dim3A_95 = vector.shape_cast %get3A_94 : vector<768xbf16> to vector<1x768xbf16>
    %add3A_96 = vector.broadcast %broadcast_in_dim3A_95 : vector<1x768xbf16> to vector<1024x768xbf16>
    %add3A_97 = arith.addf %convert_element_type3A_90, %add3A_96 : vector<1024x768xbf16>
    %max3A_98 = arith.constant 0.000000e+00 : bf16
    %max3A_99 = vector.broadcast %max3A_98 : bf16 to vector<1024x768xbf16>
    %max3A_100 = arith.maximumf %add3A_97, %max3A_99 : vector<1024x768xbf16>
    %convert_element_type3A_101 = arith.truncf %mul3A_79 : f32 to bf16
    %mul3A_102 = vector.broadcast %convert_element_type3A_101 : bf16 to vector<1024x768xbf16>
    %mul3A_103 = arith.mulf %max3A_100, %mul3A_102 : vector<1024x768xbf16>
    %add3A_104 = arith.addf %add3A_67, %mul3A_103 : vector<1024x768xbf16>
    %get3A_105 = arith.constant 0 : index
    %get3A_106 = arith.constant 3 : index
    %get3A_107 = arith.constant 0 : index
    %get3A_108 = vector.load %arg4[%get3A_105, %get3A_106, %get3A_107] : memref<32x8x16xf32, #tpu.memory_space<vmem>>, vector<32x1x16xf32>
    %get3A_109 = vector.shape_cast %get3A_108 : vector<32x1x16xf32> to vector<32x16xf32>
    %reduce_sum3A_110 = vector.shape_cast %get3A_109 : vector<32x16xf32> to vector<1x32x16xf32>
    %reduce_sum3A_111 = arith.constant dense<0.000000e+00> : vector<1xf32>
    %reduce_sum3A_112 = vector.multi_reduction <add>, %reduce_sum3A_110, %reduce_sum3A_111 [1, 2] : vector<1x32x16xf32> to vector<1xf32>
    %reduce_sum3A_113 = vector.shape_cast %reduce_sum3A_112 : vector<1xf32> to vector<1x1x1xf32>
    %reduce_sum3A_114 = vector.extract %reduce_sum3A_113[0, 0, 0] : f32 from vector<1x1x1xf32>
    %mul3A_115 = arith.constant 2.44140625E-4 : f32
    %mul3A_116 = arith.mulf %reduce_sum3A_114, %mul3A_115 : f32
    %get3A_117 = arith.constant 0 : index
    %get3A_118 = arith.constant 0 : index
    %get3A_119 = vector.load %arg1[%get3A_117, %get3A_118] : memref<1024x768xbf16, #tpu.memory_space<vmem>>, vector<1024x768xbf16>
    %get3A_120 = arith.constant 3 : index
    %get3A_121 = arith.constant 0 : index
    %get3A_122 = arith.constant 0 : index
    %get3A_123 = vector.load %arg2[%get3A_120, %get3A_121, %get3A_122] : memref<8x768x768xbf16, #tpu.memory_space<vmem>>, vector<1x768x768xbf16>
    %get3A_124 = vector.shape_cast %get3A_123 : vector<1x768x768xbf16> to vector<768x768xbf16>
    %dot_general3A_125 = arith.constant dense<0.000000e+00> : vector<1024x768xf32>
    %dot_general3A_126 = tpu.matmul %get3A_119, %get3A_124, %dot_general3A_125 {dimension_numbers = #tpu.dot_dimension_numbers<[1], [1], [0], [0], [0, 0, 1, 0], [], []>, transpose_lhs_hint = false} : vector<1024x768xbf16>, vector<768x768xbf16>, vector<1024x768xf32> -> vector<1024x768xf32>
    %convert_element_type3A_127 = arith.truncf %dot_general3A_126 : vector<1024x768xf32> to vector<1024x768xbf16>
    %get3A_128 = arith.constant 3 : index
    %get3A_129 = arith.constant 0 : index
    %get3A_130 = vector.load %arg3[%get3A_128, %get3A_129] : memref<8x768xbf16, #tpu.memory_space<vmem>>, vector<1x768xbf16>
    %get3A_131 = vector.shape_cast %get3A_130 : vector<1x768xbf16> to vector<768xbf16>
    %broadcast_in_dim3A_132 = vector.shape_cast %get3A_131 : vector<768xbf16> to vector<1x768xbf16>
    %add3A_133 = vector.broadcast %broadcast_in_dim3A_132 : vector<1x768xbf16> to vector<1024x768xbf16>
    %add3A_134 = arith.addf %convert_element_type3A_127, %add3A_133 : vector<1024x768xbf16>
    %max3A_135 = arith.constant 0.000000e+00 : bf16
    %max3A_136 = vector.broadcast %max3A_135 : bf16 to vector<1024x768xbf16>
    %max3A_137 = arith.maximumf %add3A_134, %max3A_136 : vector<1024x768xbf16>
    %convert_element_type3A_138 = arith.truncf %mul3A_116 : f32 to bf16
    %mul3A_139 = vector.broadcast %convert_element_type3A_138 : bf16 to vector<1024x768xbf16>
    %mul3A_140 = arith.mulf %max3A_137, %mul3A_139 : vector<1024x768xbf16>
    %add3A_141 = arith.addf %add3A_104, %mul3A_140 : vector<1024x768xbf16>
    %get3A_142 = arith.constant 0 : index
    %get3A_143 = arith.constant 4 : index
    %get3A_144 = arith.constant 0 : index
    %get3A_145 = vector.load %arg4[%get3A_142, %get3A_143, %get3A_144] : memref<32x8x16xf32, #tpu.memory_space<vmem>>, vector<32x1x16xf32>
    %get3A_146 = vector.shape_cast %get3A_145 : vector<32x1x16xf32> to vector<32x16xf32>
    %reduce_sum3A_147 = vector.shape_cast %get3A_146 : vector<32x16xf32> to vector<1x32x16xf32>
    %reduce_sum3A_148 = arith.constant dense<0.000000e+00> : vector<1xf32>
    %reduce_sum3A_149 = vector.multi_reduction <add>, %reduce_sum3A_147, %reduce_sum3A_148 [1, 2] : vector<1x32x16xf32> to vector<1xf32>
    %reduce_sum3A_150 = vector.shape_cast %reduce_sum3A_149 : vector<1xf32> to vector<1x1x1xf32>
    %reduce_sum3A_151 = vector.extract %reduce_sum3A_150[0, 0, 0] : f32 from vector<1x1x1xf32>
    %mul3A_152 = arith.constant 2.44140625E-4 : f32
    %mul3A_153 = arith.mulf %reduce_sum3A_151, %mul3A_152 : f32
    %get3A_154 = arith.constant 0 : index
    %get3A_155 = arith.constant 0 : index
    %get3A_156 = vector.load %arg1[%get3A_154, %get3A_155] : memref<1024x768xbf16, #tpu.memory_space<vmem>>, vector<1024x768xbf16>
    %get3A_157 = arith.constant 4 : index
    %get3A_158 = arith.constant 0 : index
    %get3A_159 = arith.constant 0 : index
    %get3A_160 = vector.load %arg2[%get3A_157, %get3A_158, %get3A_159] : memref<8x768x768xbf16, #tpu.memory_space<vmem>>, vector<1x768x768xbf16>
    %get3A_161 = vector.shape_cast %get3A_160 : vector<1x768x768xbf16> to vector<768x768xbf16>
    %dot_general3A_162 = arith.constant dense<0.000000e+00> : vector<1024x768xf32>
    %dot_general3A_163 = tpu.matmul %get3A_156, %get3A_161, %dot_general3A_162 {dimension_numbers = #tpu.dot_dimension_numbers<[1], [1], [0], [0], [0, 0, 1, 0], [], []>, transpose_lhs_hint = false} : vector<1024x768xbf16>, vector<768x768xbf16>, vector<1024x768xf32> -> vector<1024x768xf32>
    %convert_element_type3A_164 = arith.truncf %dot_general3A_163 : vector<1024x768xf32> to vector<1024x768xbf16>
    %get3A_165 = arith.constant 4 : index
    %get3A_166 = arith.constant 0 : index
    %get3A_167 = vector.load %arg3[%get3A_165, %get3A_166] : memref<8x768xbf16, #tpu.memory_space<vmem>>, vector<1x768xbf16>
    %get3A_168 = vector.shape_cast %get3A_167 : vector<1x768xbf16> to vector<768xbf16>
    %broadcast_in_dim3A_169 = vector.shape_cast %get3A_168 : vector<768xbf16> to vector<1x768xbf16>
    %add3A_170 = vector.broadcast %broadcast_in_dim3A_169 : vector<1x768xbf16> to vector<1024x768xbf16>
    %add3A_171 = arith.addf %convert_element_type3A_164, %add3A_170 : vector<1024x768xbf16>
    %max3A_172 = arith.constant 0.000000e+00 : bf16
    %max3A_173 = vector.broadcast %max3A_172 : bf16 to vector<1024x768xbf16>
    %max3A_174 = arith.maximumf %add3A_171, %max3A_173 : vector<1024x768xbf16>
    %convert_element_type3A_175 = arith.truncf %mul3A_153 : f32 to bf16
    %mul3A_176 = vector.broadcast %convert_element_type3A_175 : bf16 to vector<1024x768xbf16>
    %mul3A_177 = arith.mulf %max3A_174, %mul3A_176 : vector<1024x768xbf16>
    %add3A_178 = arith.addf %add3A_141, %mul3A_177 : vector<1024x768xbf16>
    %get3A_179 = arith.constant 0 : index
    %get3A_180 = arith.constant 5 : index
    %get3A_181 = arith.constant 0 : index
    %get3A_182 = vector.load %arg4[%get3A_179, %get3A_180, %get3A_181] : memref<32x8x16xf32, #tpu.memory_space<vmem>>, vector<32x1x16xf32>
    %get3A_183 = vector.shape_cast %get3A_182 : vector<32x1x16xf32> to vector<32x16xf32>
    %reduce_sum3A_184 = vector.shape_cast %get3A_183 : vector<32x16xf32> to vector<1x32x16xf32>
    %reduce_sum3A_185 = arith.constant dense<0.000000e+00> : vector<1xf32>
    %reduce_sum3A_186 = vector.multi_reduction <add>, %reduce_sum3A_184, %reduce_sum3A_185 [1, 2] : vector<1x32x16xf32> to vector<1xf32>
    %reduce_sum3A_187 = vector.shape_cast %reduce_sum3A_186 : vector<1xf32> to vector<1x1x1xf32>
    %reduce_sum3A_188 = vector.extract %reduce_sum3A_187[0, 0, 0] : f32 from vector<1x1x1xf32>
    %mul3A_189 = arith.constant 2.44140625E-4 : f32
    %mul3A_190 = arith.mulf %reduce_sum3A_188, %mul3A_189 : f32
    %get3A_191 = arith.constant 0 : index
    %get3A_192 = arith.constant 0 : index
    %get3A_193 = vector.load %arg1[%get3A_191, %get3A_192] : memref<1024x768xbf16, #tpu.memory_space<vmem>>, vector<1024x768xbf16>
    %get3A_194 = arith.constant 5 : index
    %get3A_195 = arith.constant 0 : index
    %get3A_196 = arith.constant 0 : index
    %get3A_197 = vector.load %arg2[%get3A_194, %get3A_195, %get3A_196] : memref<8x768x768xbf16, #tpu.memory_space<vmem>>, vector<1x768x768xbf16>
    %get3A_198 = vector.shape_cast %get3A_197 : vector<1x768x768xbf16> to vector<768x768xbf16>
    %dot_general3A_199 = arith.constant dense<0.000000e+00> : vector<1024x768xf32>
    %dot_general3A_200 = tpu.matmul %get3A_193, %get3A_198, %dot_general3A_199 {dimension_numbers = #tpu.dot_dimension_numbers<[1], [1], [0], [0], [0, 0, 1, 0], [], []>, transpose_lhs_hint = false} : vector<1024x768xbf16>, vector<768x768xbf16>, vector<1024x768xf32> -> vector<1024x768xf32>
    %convert_element_type3A_201 = arith.truncf %dot_general3A_200 : vector<1024x768xf32> to vector<1024x768xbf16>
    %get3A_202 = arith.constant 5 : index
    %get3A_203 = arith.constant 0 : index
    %get3A_204 = vector.load %arg3[%get3A_202, %get3A_203] : memref<8x768xbf16, #tpu.memory_space<vmem>>, vector<1x768xbf16>
    %get3A_205 = vector.shape_cast %get3A_204 : vector<1x768xbf16> to vector<768xbf16>
    %broadcast_in_dim3A_206 = vector.shape_cast %get3A_205 : vector<768xbf16> to vector<1x768xbf16>
    %add3A_207 = vector.broadcast %broadcast_in_dim3A_206 : vector<1x768xbf16> to vector<1024x768xbf16>
    %add3A_208 = arith.addf %convert_element_type3A_201, %add3A_207 : vector<1024x768xbf16>
    %max3A_209 = arith.constant 0.000000e+00 : bf16
    %max3A_210 = vector.broadcast %max3A_209 : bf16 to vector<1024x768xbf16>
    %max3A_211 = arith.maximumf %add3A_208, %max3A_210 : vector<1024x768xbf16>
    %convert_element_type3A_212 = arith.truncf %mul3A_190 : f32 to bf16
    %mul3A_213 = vector.broadcast %convert_element_type3A_212 : bf16 to vector<1024x768xbf16>
    %mul3A_214 = arith.mulf %max3A_211, %mul3A_213 : vector<1024x768xbf16>
    %add3A_215 = arith.addf %add3A_178, %mul3A_214 : vector<1024x768xbf16>
    %get3A_216 = arith.constant 0 : index
    %get3A_217 = arith.constant 6 : index
    %get3A_218 = arith.constant 0 : index
    %get3A_219 = vector.load %arg4[%get3A_216, %get3A_217, %get3A_218] : memref<32x8x16xf32, #tpu.memory_space<vmem>>, vector<32x1x16xf32>
    %get3A_220 = vector.shape_cast %get3A_219 : vector<32x1x16xf32> to vector<32x16xf32>
    %reduce_sum3A_221 = vector.shape_cast %get3A_220 : vector<32x16xf32> to vector<1x32x16xf32>
    %reduce_sum3A_222 = arith.constant dense<0.000000e+00> : vector<1xf32>
    %reduce_sum3A_223 = vector.multi_reduction <add>, %reduce_sum3A_221, %reduce_sum3A_222 [1, 2] : vector<1x32x16xf32> to vector<1xf32>
    %reduce_sum3A_224 = vector.shape_cast %reduce_sum3A_223 : vector<1xf32> to vector<1x1x1xf32>
    %reduce_sum3A_225 = vector.extract %reduce_sum3A_224[0, 0, 0] : f32 from vector<1x1x1xf32>
    %mul3A_226 = arith.constant 2.44140625E-4 : f32
    %mul3A_227 = arith.mulf %reduce_sum3A_225, %mul3A_226 : f32
    %get3A_228 = arith.constant 0 : index
    %get3A_229 = arith.constant 0 : index
    %get3A_230 = vector.load %arg1[%get3A_228, %get3A_229] : memref<1024x768xbf16, #tpu.memory_space<vmem>>, vector<1024x768xbf16>
    %get3A_231 = arith.constant 6 : index
    %get3A_232 = arith.constant 0 : index
    %get3A_233 = arith.constant 0 : index
    %get3A_234 = vector.load %arg2[%get3A_231, %get3A_232, %get3A_233] : memref<8x768x768xbf16, #tpu.memory_space<vmem>>, vector<1x768x768xbf16>
    %get3A_235 = vector.shape_cast %get3A_234 : vector<1x768x768xbf16> to vector<768x768xbf16>
    %dot_general3A_236 = arith.constant dense<0.000000e+00> : vector<1024x768xf32>
    %dot_general3A_237 = tpu.matmul %get3A_230, %get3A_235, %dot_general3A_236 {dimension_numbers = #tpu.dot_dimension_numbers<[1], [1], [0], [0], [0, 0, 1, 0], [], []>, transpose_lhs_hint = false} : vector<1024x768xbf16>, vector<768x768xbf16>, vector<1024x768xf32> -> vector<1024x768xf32>
    %convert_element_type3A_238 = arith.truncf %dot_general3A_237 : vector<1024x768xf32> to vector<1024x768xbf16>
    %get3A_239 = arith.constant 6 : index
    %get3A_240 = arith.constant 0 : index
    %get3A_241 = vector.load %arg3[%get3A_239, %get3A_240] : memref<8x768xbf16, #tpu.memory_space<vmem>>, vector<1x768xbf16>
    %get3A_242 = vector.shape_cast %get3A_241 : vector<1x768xbf16> to vector<768xbf16>
    %broadcast_in_dim3A_243 = vector.shape_cast %get3A_242 : vector<768xbf16> to vector<1x768xbf16>
    %add3A_244 = vector.broadcast %broadcast_in_dim3A_243 : vector<1x768xbf16> to vector<1024x768xbf16>
    %add3A_245 = arith.addf %convert_element_type3A_238, %add3A_244 : vector<1024x768xbf16>
    %max3A_246 = arith.constant 0.000000e+00 : bf16
    %max3A_247 = vector.broadcast %max3A_246 : bf16 to vector<1024x768xbf16>
    %max3A_248 = arith.maximumf %add3A_245, %max3A_247 : vector<1024x768xbf16>
    %convert_element_type3A_249 = arith.truncf %mul3A_227 : f32 to bf16
    %mul3A_250 = vector.broadcast %convert_element_type3A_249 : bf16 to vector<1024x768xbf16>
    %mul3A_251 = arith.mulf %max3A_248, %mul3A_250 : vector<1024x768xbf16>
    %add3A_252 = arith.addf %add3A_215, %mul3A_251 : vector<1024x768xbf16>
    %get3A_253 = arith.constant 0 : index
    %get3A_254 = arith.constant 7 : index
    %get3A_255 = arith.constant 0 : index
    %get3A_256 = vector.load %arg4[%get3A_253, %get3A_254, %get3A_255] : memref<32x8x16xf32, #tpu.memory_space<vmem>>, vector<32x1x16xf32>
    %get3A_257 = vector.shape_cast %get3A_256 : vector<32x1x16xf32> to vector<32x16xf32>
    %reduce_sum3A_258 = vector.shape_cast %get3A_257 : vector<32x16xf32> to vector<1x32x16xf32>
    %reduce_sum3A_259 = arith.constant dense<0.000000e+00> : vector<1xf32>
    %reduce_sum3A_260 = vector.multi_reduction <add>, %reduce_sum3A_258, %reduce_sum3A_259 [1, 2] : vector<1x32x16xf32> to vector<1xf32>
    %reduce_sum3A_261 = vector.shape_cast %reduce_sum3A_260 : vector<1xf32> to vector<1x1x1xf32>
    %reduce_sum3A_262 = vector.extract %reduce_sum3A_261[0, 0, 0] : f32 from vector<1x1x1xf32>
    %mul3A_263 = arith.constant 2.44140625E-4 : f32
    %mul3A_264 = arith.mulf %reduce_sum3A_262, %mul3A_263 : f32
    %get3A_265 = arith.constant 0 : index
    %get3A_266 = arith.constant 0 : index
    %get3A_267 = vector.load %arg1[%get3A_265, %get3A_266] : memref<1024x768xbf16, #tpu.memory_space<vmem>>, vector<1024x768xbf16>
    %get3A_268 = arith.constant 7 : index
    %get3A_269 = arith.constant 0 : index
    %get3A_270 = arith.constant 0 : index
    %get3A_271 = vector.load %arg2[%get3A_268, %get3A_269, %get3A_270] : memref<8x768x768xbf16, #tpu.memory_space<vmem>>, vector<1x768x768xbf16>
    %get3A_272 = vector.shape_cast %get3A_271 : vector<1x768x768xbf16> to vector<768x768xbf16>
    %dot_general3A_273 = arith.constant dense<0.000000e+00> : vector<1024x768xf32>
    %dot_general3A_274 = tpu.matmul %get3A_267, %get3A_272, %dot_general3A_273 {dimension_numbers = #tpu.dot_dimension_numbers<[1], [1], [0], [0], [0, 0, 1, 0], [], []>, transpose_lhs_hint = false} : vector<1024x768xbf16>, vector<768x768xbf16>, vector<1024x768xf32> -> vector<1024x768xf32>
    %convert_element_type3A_275 = arith.truncf %dot_general3A_274 : vector<1024x768xf32> to vector<1024x768xbf16>
    %get3A_276 = arith.constant 7 : index
    %get3A_277 = arith.constant 0 : index
    %get3A_278 = vector.load %arg3[%get3A_276, %get3A_277] : memref<8x768xbf16, #tpu.memory_space<vmem>>, vector<1x768xbf16>
    %get3A_279 = vector.shape_cast %get3A_278 : vector<1x768xbf16> to vector<768xbf16>
    %broadcast_in_dim3A_280 = vector.shape_cast %get3A_279 : vector<768xbf16> to vector<1x768xbf16>
    %add3A_281 = vector.broadcast %broadcast_in_dim3A_280 : vector<1x768xbf16> to vector<1024x768xbf16>
    %add3A_282 = arith.addf %convert_element_type3A_275, %add3A_281 : vector<1024x768xbf16>
    %max3A_283 = arith.constant 0.000000e+00 : bf16
    %max3A_284 = vector.broadcast %max3A_283 : bf16 to vector<1024x768xbf16>
    %max3A_285 = arith.maximumf %add3A_282, %max3A_284 : vector<1024x768xbf16>
    %convert_element_type3A_286 = arith.truncf %mul3A_264 : f32 to bf16
    %mul3A_287 = vector.broadcast %convert_element_type3A_286 : bf16 to vector<1024x768xbf16>
    %mul3A_288 = arith.mulf %max3A_285, %mul3A_287 : vector<1024x768xbf16>
    %add3A_289 = arith.addf %add3A_252, %mul3A_288 : vector<1024x768xbf16>
    %convert_element_type3A_290 = arith.extf %add3A_289 : vector<1024x768xbf16> to vector<1024x768xf32>
    %swap3A = arith.constant 0 : index
    %swap3A_291 = arith.constant 0 : index
    %swap3A_292 = vector.load %arg5[%swap3A, %swap3A_291] : memref<1024x768xf32, #tpu.memory_space<vmem>>, vector<1024x768xf32>
    tpu.vector_store %arg5[%swap3A, %swap3A_291], %convert_element_type3A_290 {strides = array<i32>} : memref<1024x768xf32, #tpu.memory_space<vmem>>, vector<1024x768xf32>,
    return
  }
  func.func @transform_0(%arg0: i32) -> (i32, i32) {
    %c0_i32 = arith.constant 0 : i32
    %c0_i32_0 = arith.constant 0 : i32
    return %arg0, %c0_i32 : i32, i32
  }
  func.func @transform_1(%arg0: i32) -> (i32, i32, i32) {
    %c0_i32 = arith.constant 0 : i32
    %c0_i32_0 = arith.constant 0 : i32
    %c0_i32_1 = arith.constant 0 : i32
    %c0_i32_2 = arith.constant 0 : i32
    return %c0_i32, %c0_i32_0, %c0_i32_1 : i32, i32, i32
  }
  func.func @transform_2(%arg0: i32) -> (i32, i32) {
    %c0_i32 = arith.constant 0 : i32
    %c0_i32_0 = arith.constant 0 : i32
    %c0_i32_1 = arith.constant 0 : i32
    return %c0_i32, %c0_i32_0 : i32, i32
  }
  func.func @transform_3(%arg0: i32) -> (i32, i32, i32) {
    %c0_i32 = arith.constant 0 : i32
    %c0_i32_0 = arith.constant 0 : i32
    %c0_i32_1 = arith.constant 0 : i32
    %c0_i32_2 = arith.constant 0 : i32
    return %c0_i32, %c0_i32_0, %c0_i32_1 : i32, i32, i32
  }
  func.func @transform_4(%arg0: i32) -> (i32, i32) {
    %c0_i32 = arith.constant 0 : i32
    %c0_i32_0 = arith.constant 0 : i32
    return %arg0, %c0_i32 : i32, i32
  }
}

module attributes {stable_mosaic.version = 14 : i64} {
  func.func @_front_body(%arg0: i32, %arg1: memref<512x768xf32, #tpu.memory_space<vmem>>, %arg2: memref<8x768xf32, #tpu.memory_space<vmem>>, %arg3: memref<8x1xf32, #tpu.memory_space<vmem>>, %arg4: memref<2x768x768xf32, #tpu.memory_space<vmem>>, %arg5: memref<8x512xf32, #tpu.memory_space<vmem>>, %arg6: memref<512x768xbf16, #tpu.memory_space<vmem>>, %arg7: memref<2x768x768xbf16, #tpu.memory_space<vmem>>) attributes {dimension_semantics = [#tpu.dimension_semantics<arbitrary>], iteration_bounds = array<i64: 4>, scalar_prefetch = 0 : i64, scratch_operands = 0 : i64, tpu.core_type = #tpu.core_type<tc>, window_params = [{transform_indices = @transform_0, window_bounds = array<i64: 512, 768>}, {pipeline_mode = #tpu.pipeline_mode<synchronous>, transform_indices = @transform_1, window_bounds = array<i64: 8, 768>}, {pipeline_mode = #tpu.pipeline_mode<synchronous>, transform_indices = @transform_2, window_bounds = array<i64: 8, 1>}, {transform_indices = @transform_3, window_bounds = array<i64: 2, 768, 768>}, {transform_indices = @transform_4, window_bounds = array<i64: 8, 512>}, {transform_indices = @transform_5, window_bounds = array<i64: 512, 768>}, {transform_indices = @transform_6, window_bounds = array<i64: 2, 768, 768>}]} {
    %get3A = arith.constant 0 : index
    %get3A_0 = arith.constant 0 : index
    %get3A_1 = vector.load %arg1[%get3A, %get3A_0] : memref<512x768xf32, #tpu.memory_space<vmem>>, vector<512x768xf32>
    %get3A_2 = arith.constant 0 : index
    %get3A_3 = arith.constant 0 : index
    %get3A_4 = vector.load %arg2[%get3A_2, %get3A_3] : memref<8x768xf32, #tpu.memory_space<vmem>>, vector<8x768xf32>
    %dot_general3A = arith.constant dense<0.000000e+00> : vector<8x512xf32>
    %dot_general3A_5 = tpu.matmul %get3A_4, %get3A_1, %dot_general3A {dimension_numbers = #tpu.dot_dimension_numbers<[1], [1], [0], [0], [0, 0, 1, 0], [], []>, transpose_lhs_hint = false} : vector<8x768xf32>, vector<512x768xf32>, vector<8x512xf32> -> vector<8x512xf32>
    %get3A_6 = arith.constant 0 : index
    %get3A_7 = arith.constant 0 : index
    %get3A_8 = vector.load %arg3[%get3A_6, %get3A_7] : memref<8x1xf32, #tpu.memory_space<vmem>>, vector<8x1xf32>
    %add3A = vector.broadcast %get3A_8 : vector<8x1xf32> to vector<8x512xf32>
    %add3A_9 = arith.addf %dot_general3A_5, %add3A : vector<8x512xf32>
    %swap3A = arith.constant 0 : index
    %swap3A_10 = arith.constant 0 : index
    %swap3A_11 = vector.load %arg5[%swap3A, %swap3A_10] : memref<8x512xf32, #tpu.memory_space<vmem>>, vector<8x512xf32>
    tpu.vector_store %arg5[%swap3A, %swap3A_10], %add3A_9 {strides = array<i32>} : memref<8x512xf32, #tpu.memory_space<vmem>>, vector<8x512xf32>,
    %convert_element_type3A = arith.truncf %get3A_1 : vector<512x768xf32> to vector<512x768xbf16>
    %swap3A_12 = arith.constant 0 : index
    %swap3A_13 = arith.constant 0 : index
    %swap3A_14 = vector.load %arg6[%swap3A_12, %swap3A_13] : memref<512x768xbf16, #tpu.memory_space<vmem>>, vector<512x768xbf16>
    tpu.vector_store %arg6[%swap3A_12, %swap3A_13], %convert_element_type3A {strides = array<i32>} : memref<512x768xbf16, #tpu.memory_space<vmem>>, vector<512x768xbf16>,
    %get3A_15 = arith.constant 0 : index
    %get3A_16 = arith.constant 0 : index
    %get3A_17 = arith.constant 0 : index
    %get3A_18 = vector.load %arg4[%get3A_15, %get3A_16, %get3A_17] : memref<2x768x768xf32, #tpu.memory_space<vmem>>, vector<2x768x768xf32>
    %convert_element_type3A_19 = arith.truncf %get3A_18 : vector<2x768x768xf32> to vector<2x768x768xbf16>
    %swap3A_20 = arith.constant 0 : index
    %swap3A_21 = arith.constant 0 : index
    %swap3A_22 = arith.constant 0 : index
    %swap3A_23 = vector.load %arg7[%swap3A_20, %swap3A_21, %swap3A_22] : memref<2x768x768xbf16, #tpu.memory_space<vmem>>, vector<2x768x768xbf16>
    tpu.vector_store %arg7[%swap3A_20, %swap3A_21, %swap3A_22], %convert_element_type3A_19 {strides = array<i32>} : memref<2x768x768xbf16, #tpu.memory_space<vmem>>, vector<2x768x768xbf16>,
    return
  }
  func.func @transform_0(%arg0: i32) -> (i32, i32) {
    %c0_i32 = arith.constant 0 : i32
    %c0_i32_0 = arith.constant 0 : i32
    return %arg0, %c0_i32 : i32, i32
  }
  func.func @transform_1(%arg0: i32) -> (i32, i32) {
    %c0_i32 = arith.constant 0 : i32
    %c0_i32_0 = arith.constant 0 : i32
    %c0_i32_1 = arith.constant 0 : i32
    return %c0_i32, %c0_i32_0 : i32, i32
  }
  func.func @transform_2(%arg0: i32) -> (i32, i32) {
    %c0_i32 = arith.constant 0 : i32
    %c0_i32_0 = arith.constant 0 : i32
    %c0_i32_1 = arith.constant 0 : i32
    return %c0_i32, %c0_i32_0 : i32, i32
  }
  func.func @transform_3(%arg0: i32) -> (i32, i32, i32) {
    %c0_i32 = arith.constant 0 : i32
    %c0_i32_0 = arith.constant 0 : i32
    %c0_i32_1 = arith.constant 0 : i32
    return %arg0, %c0_i32, %c0_i32_0 : i32, i32, i32
  }
  func.func @transform_4(%arg0: i32) -> (i32, i32) {
    %c0_i32 = arith.constant 0 : i32
    %c0_i32_0 = arith.constant 0 : i32
    return %c0_i32, %arg0 : i32, i32
  }
  func.func @transform_5(%arg0: i32) -> (i32, i32) {
    %c0_i32 = arith.constant 0 : i32
    %c0_i32_0 = arith.constant 0 : i32
    return %arg0, %c0_i32 : i32, i32
  }
  func.func @transform_6(%arg0: i32) -> (i32, i32, i32) {
    %c0_i32 = arith.constant 0 : i32
    %c0_i32_0 = arith.constant 0 : i32
    %c0_i32_1 = arith.constant 0 : i32
    return %arg0, %c0_i32, %c0_i32_0 : i32, i32, i32
  }
}

</mosaic_0001>

<sc_bundles>
// kernel: kernel.5.cloned.1.call-start
scs
__scs_entry_jumppad:
0x0: {  	(pc) =	sbr.rel $0x88, $3  }
0x1: {  	(tag) =	ssettag $0x0;
	lr =	simm.s32 $0x1  }
0x2: {  	[smem:$0x3F9C] =	sst lr;
	_ =	strace $0xD0000000  }
0x3: {  	_ = 	snop  }
0x4: {  	_ = 	snop  }
0x5: {  	_ = 	snop  }
0x6: {  	_ = 	snop  }
0x7: {  	_ = 	snop  }
__scs_overlays_trampoline_lowered:
0x8: {  	[smem:$0x3FAB] =	sst s0  }
0x9: {  	[smem:$0x3FAC] =	sst s1  }
0xa: {  	[smem:$0x3FAD] =	sst s2  }
0xb: {  	[smem:$0x3FAE] =	sst s3  }
0xc: {  	[smem:$0x3FAF] =	sst s4  }
0xd: {  	[smem:$0x3FB0] =	sst s5  }
0xe: {  	[smem:$0x3FB1] =	sst s6  }
0xf: {  	[smem:$0x3FB2] =	sst s7  }
0x10: {  	[smem:$0x3FB3] =	sst s8  }
0x11: {  	[smem:$0x3FB4] =	sst s9;
	s0 =	simm.s32 @!p0 $0x0  }
0x12: {  	s1 =	sld [smem:$0x3F9A];
	s0 =	simm.s32 @p0 $0x1  }
0x13: {  	[smem:$0x3FB5] =	sst s0;
	s0 =	simm.s32 @!p1 $0x0  }
0x14: {  	s2 =	sld [smem:$0x3F99];
	s0 =	simm.s32 @p1 $0x1  }
0x15: {  	[smem:$0x3FB6] =	sst s0;
	s0 =	simm.s32 @!p2 $0x0  }
0x16: {  	s3 =	sld [smem:$0x3FDB];
	s0 =	simm.s32 @p2 $0x1  }
0x17: {  	s4 =	simm.s32 $0x1BF5;
	[smem:$0x3FB8] =	sst s0  }
0x18: {  	s0 =	sld [smem:$0x3F9B];
	_ =	swait.ge [sflag:s4], $0x0  }
0x19: {  	s7 =	sld [smem:$0x3F9C]  }
0x1a: {  	s8 =	sadd.s32 $0xFFFFE003, lr  }
0x1b: {  	s9 =	sadd.s32 $0xFFFFFEF7, lr;
	s5 =	simm.s32 $0xFFFFFFFF;
	p2 =	slt.u32 s8, $0xFFFFF086  }
0x1c: {  	p1 =	slt.u32 s9, $0xF7A;
	s5 =	simm.s32 @!p2 $0x0  }
0x1d: {  	s5 =	simm.s32 @p1 $0x1;
	p0 =	seq.s32 s7, s2  }
0x1e: {  	s7 =	smul.u32 @!p0 $0xF7A, s2;
	p2 =	seq.s32 @!p0 s5, $0x0  }
0x1f: {  	s9 =	smul.u32 $0xF7A, s1;
	s8 =	simm.s32 @!p0 $0x1BF5;
	p2 =	por !p2, p0  }
0x20: {  	[sflag:s8] =	ssyncset.s32 @!p0 $0xFFFFF086;
	s6 =	sadd.s32 @!p0 s3, s7;
	s7 =	simm.s32 @!p0 $0x108  }
0x21: {  	s3 =	sadd.s32 s3, s9;
	s6 =	sadd.s32 @!p0 $0x88, s6;
	s7 =	simm.s32 @p2 $0x1082  }
0x22: {  	[simem:s7], [sflag:s8] =	dma.local @!p0 [hbm:s6], $0xF7A  }
0x23: {  	s9 =	sor.u32 $0xD0000000, s2;
	s6 =	simm.s32 $0x108;
	_ =	swait.ge @!p0 [sflag:s8], $0x0  }
0x24: {  	s3 =	sadd.s32 $0x88, s3;
	s6 =	simm.s32 @!p1 $0x1082;
	[sflag:s4] =	ssyncset.s32 $0xFFFFF086  }
0x25: {  	[simem:s6], [sflag:s4] =	dma.local [hbm:s3], $0xF7A  }
0x26: {  	[smem:$0x3F9C] =	sst s1;
	(tag) =	ssettag s2;
	_ =	strace s9  }
0x27: {  	s1 =	sld [smem:$0x3FAC]  }
0x28: {  	s2 =	sld [smem:$0x3FAD]  }
0x29: {  	s4 =	sld [smem:$0x3FAF]  }
0x2a: {  	p0 =	seq.s32 s5, $0x0;
	s5 =	sld [smem:$0x3FB0]  }
0x2b: {  	s6 =	sld [smem:$0x3FB1]  }
0x2c: {  	s7 =	sld [smem:$0x3FB2]  }
0x2d: {  	s3 =	simm.s32 $0x108;
	s8 =	sld [smem:$0x3FB3]  }
0x2e: {  	s3 =	simm.s32 @!p0 $0x1082;
	s9 =	sld [smem:$0x3FB4]  }
0x2f: {  	lr =	sadd.s32 s0, s3;
	s0 =	sld [smem:$0x3FAB]  }
0x30: {  	s3 =	sld [smem:$0x3FAE]  }
0x31: {  	[smem:$0x3FB7] =	sst s10  }
0x32: {  	s10 =	sld [smem:$0x3FB5];
	_ =	sdelay $0x3  }
0x33: {  	p0 =	seq.s32 s10, $0x1;
	s10 =	sld [smem:$0x3FB7];
	_ =	sdelay $0x3  }
0x34: {  	[smem:$0x3FB7] =	sst s10  }
0x35: {  	s10 =	sld [smem:$0x3FB6];
	_ =	sdelay $0x3  }
0x36: {  	p1 =	seq.s32 s10, $0x1;
	s10 =	sld [smem:$0x3FB7];
	_ =	sdelay $0x3  }
0x37: {  	[smem:$0x3FB7] =	sst s10  }
0x38: {  	s10 =	sld [smem:$0x3FB8]  }
0x39: {  	_ = 	snop;
	(pc) =	sbr.ind lr, $3  }
0x3a: {  	_ = 	snop  }
0x3b: {  	_ = 	snop  }
0x3c: {  	p2 =	seq.s32 s10, $0x1;
	s10 =	sld [smem:$0x3FB7]  }
0x3d: {  	_ =	shalt  }
0x3e: {  	_ =	shalt  }
0x3f: {  	_ =	shalt  }
0x40: {  	_ =	shalt  }
0x41: {  	_ =	shalt  }
0x42: {  	_ =	shalt  }
0x43: {  	_ =	shalt  }
0x44: {  	_ =	shalt  }
0x45: {  	_ =	shalt  }
0x46: {  	_ =	shalt  }
0x47: {  	_ =	shalt  }
0x48: {  	_ =	shalt  }
0x49: {  	_ =	shalt  }
0x4a: {  	_ =	shalt  }
0x4b: {  	_ =	shalt  }
0x4c: {  	_ =	shalt  }
0x4d: {  	_ =	shalt  }
0x4e: {  	_ =	shalt  }
0x4f: {  	_ =	shalt  }
0x50: {  	_ =	shalt  }
0x51: {  	_ =	shalt  }
0x52: {  	_ =	shalt  }
0x53: {  	_ =	shalt  }
0x54: {  	_ =	shalt  }
0x55: {  	_ =	shalt  }
0x56: {  	_ =	shalt  }
0x57: {  	_ =	shalt  }
0x58: {  	_ =	shalt  }
0x59: {  	_ =	shalt  }
0x5a: {  	_ =	shalt  }
0x5b: {  	_ =	shalt  }
0x5c: {  	_ =	shalt  }
0x5d: {  	_ =	shalt  }
0x5e: {  	_ =	shalt  }
0x5f: {  	_ =	shalt  }
0x60: {  	_ =	shalt  }
0x61: {  	_ =	shalt  }
0x62: {  	_ =	shalt  }
0x63: {  	_ =	shalt  }
0x64: {  	_ =	shalt  }
0x65: {  	_ =	shalt  }
0x66: {  	_ =	shalt  }
0x67: {  	_ =	shalt  }
0x68: {  	_ =	shalt  }
0x69: {  	_ =	shalt  }
0x6a: {  	_ =	shalt  }
0x6b: {  	_ =	shalt  }
0x6c: {  	_ =	shalt  }
0x6d: {  	_ =	shalt  }
0x6e: {  	_ =	shalt  }
0x6f: {  	_ =	shalt  }
0x70: {  	_ =	shalt  }
0x71: {  	_ =	shalt  }
0x72: {  	_ =	shalt  }
0x73: {  	_ =	shalt  }
0x74: {  	_ =	shalt  }
0x75: {  	_ =	shalt  }
0x76: {  	_ =	shalt  }
0x77: {  	_ =	shalt  }
0x78: {  	_ =	shalt  }
0x79: {  	_ =	shalt  }
0x7a: {  	_ =	shalt  }
0x7b: {  	_ =	shalt  }
0x7c: {  	_ =	shalt  }
0x7d: {  	_ =	shalt  }
0x7e: {  	_ =	shalt  }
0x7f: {  	_ =	shalt  }
0x80: {  	_ =	shalt  }
0x81: {  	_ =	shalt  }
0x82: {  	_ =	shalt  }
0x83: {  	_ =	shalt  }
0x84: {  	_ =	shalt  }
0x85: {  	_ =	shalt  }
0x86: {  	_ =	shalt  }
0x87: {  	_ =	shalt  }
.Lfunc_end0:
.L_simem_size_0:
called_computation_lowered:
.L_overlay_start_0:
0x88: {  	s2 =	sld [smem:$0x3FD9]  }
0x89: {  	s3 =	sld [smem:$0x3FFE];
	_ =	sdelay $0x1  }
0x8a: {  	s1 =	srdreg.scid  }
0x8b: {  	s0 =	sand.u32 $0x1, s1  }
0x8c: {  	s17 =	sshll.u32 s0, $0xA;
	s2 =	sadd.s32 s3, s2  }
0x8d: {  	s2 =	sadd.s32 s2, s17  }
0x8e: {  	[smem:$0x3FC3] =	sst s2  }
0x8f: {  	_ = 	snop  }
0x90: {  	s2 =	sld [smem:$0x3FD0];
	(tm) =	ssettm $0x1  }
0x91: {  	s18 =	sld [smem:$0x3FFB];
	_ =	sdelay $0x3  }
0x92: {  	_ =	strace s18  }
0x93: {  	s3 =	sld [smem:$0x3FFC];
	_ =	sdelay $0x3  }
0x94: {  	_ =	strace s3  }
0x95: {  	s3 =	sld [smem:$0x3FFD];
	_ =	sdelay $0x3  }
0x96: {  	_ =	strace s3  }
0x97: {  	_ =	strace $0x8FFFFFFF  }
0x98: {  	s19 =	sld [smem:$0x3FDB];
	_ =	sdelay $0x1  }
0x99: {  	s4 =	simm.s32 $_scs_section_size  }
0x9a: {  	s5 =	simm.s32 $_size__tile_overlayer_lowered;
	s6 =	simm.s32 $_tile_overlayer_lowered  }
0x9b: {  	s22 =	simm.s32 $0x1BFF;
	s21 =	sshll.u32 s6, $0x1;
	s3 =	sadd.s32 s4, s19  }
0x9c: {  	s7 =	simm.s32 $0x0;
	s20 =	sshll.u32 s5, $0x1;
	s5 =	sadd.s32 s21, s3  }
0x9d: {  	[timem:s7], [sflag:s22] =	dma.local [hbm:s5], s20  }
0x9e: {  	_ =	swait.ge [sflag:s22], s20  }
0x9f: {  	s4 =	ssub.s32 $0x0, s20;
	[sflag:s22] =	ssyncset.done $0x0  }
0xa0: {  	[sflag:s22] =	ssyncadd.s32 s4;
	_ =	sdelay $0x1  }
0xa1: {  	s23 =	simm.s32 $0x1B8B  }
0xa2: {  	_ =	swait.ge [sflag:s23], $0x1  }
0xa3: {  	[sflag:s23] =	ssyncset.done $0x0  }
0xa4: {  	s25 =	simm.s32 $0x1B8E;
	s24 =	sld [smem:$0x3FFE];
	[sflag:s23] =	ssyncadd.s32 $0xFFFFFFFF  }
0xa5: {  	s26 =	simm.s32 $execute0_lowered;
	[smem:$0x3FD2] =	sst s25  }
0xa6: {  	s5 =	sshll.u32 s26, $0x1;
	_ =	strace $0x80000046;
	[dreg:$0x1] =	wrdreg $0xFFFFFFFF  }
0xa7: {  	s28 =	simm.s32 $_size_execute0_lowered;
	s3 =	sadd.s32 s3, s5;
	[dreg:$0x0] =	wrdreg $0x0  }
0xa8: {  	s5 =	sshll.u32 s28, $0x1;
	[dreg:$0x2] =	wrdreg s3  }
0xa9: {  	[dreg:$0x3] =	wrdreg s5  }
0xaa: {  	[dreg:$0x4] =	wrdreg $0xC0  }
0xab: {  	_ =	task [dreg:s7], $0x5FFFF  }
0xac: {  	[dreg:$0x1] =	wrdreg $0xFFFFFFFF  }
0xad: {  	[dreg:$0x0] =	wrdreg $0x60  }
0xae: {  	[dreg:$0x2] =	wrdreg s24  }
0xaf: {  	[dreg:$0x3] =	wrdreg s2  }
0xb0: {  	[dreg:$0x4] =	wrdreg $0x9  }
0xb1: {  	_ =	task.clear_ibuf [dreg:s7], $0x5FFFF;
	_ =	strace $0x90000046  }
0xb2: {  	s29 =	simm.s32 $0x9;
	_ =	strace $0x80000048  }
0xb3: {  	_ =	swait.ge [sflag:s29], $0x1  }
0xb4: {  	[sflag:s29] =	ssyncadd.s32 $0xFFFFFFFF  }
0xb5: {  	_ =	strace $0x90000048  }
0xb6: {  	_ =	sfence  }
0xb7: {  	s30 =	sld [smem:$0x0];
	_ =	sdelay $0x2  }
0xb8: {  	s31 =	sshll.u32 s1, $0xD;
	s1 =	sshrl.u32 s1, $0x2  }
0xb9: {  	s3 =	sand.u32 $0x4000, s31;
	s1 =	sadd.s32 s1, s30  }
0xba: {  	s0 =	sor.u32 s3, s0;
	s1 =	sshll.u32 s1, $0x11  }
0xbb: {  	s0 =	sor.u32 s1, s0  }
0xbc: {  	s0 =	sadd.s32 $0x8F2B, s0  }
0xbd: {  	[sflag:s0] =	ssyncadd.remote.s32 $0x1  }
0xbe: {  	_ =	sfence.sel $0xFFFF  }
0xbf: {  	[dreg:$0x0] =	wrdreg $0xFFFFFFFF;
	(pc) =	sbr.abs _section_cstart, $3  }
0xc0: {  	[dreg:$0x1] =	wrdreg $0xFFFFFFFF  }
0xc1: {  	_ =	task.clear_ibuf [dreg:s7], $0x2FFFF;
	_ =	strace $0x9FFFFFFF  }
0xc2: {  	(tm) =	ssettm $0x7FFFFFFF  }
0xc3: {  	_ =	shalt  }
tec
execute0_lowered:
.L_overlay_start_1:
0x0: {  	(tag) =	ssettag $0x1  }
0x1: {  	s3 =	rddreg [dreg:$0x0];
	s0 =	srdreg.scid  }
0x2: {  	s5 =	rddreg [dreg:$0x1];
	s6 =	sand.u32 $0x1, s0  }
0x3: {  	s1 =	stileid.u32;
	s2 =	simm.s32 $0x0;
	s4 =	sshll.u32 s6, $0x3  }
0x4: {  	s0 =	rddreg [dreg:$0x2];
	s30 =	sshll.u32 s1, $0x7;
	s3 =	sadd.s32 s4, s3  }
0x5: {  	[smem:$0x7FF] =	sst s2;
	s3 =	sadd.s32 s30, s3  }
0x6: {  	_ =	strace $0x80000047;
	s4 =	simm.s32 $0x1;
	s3 =	sadd.s32 $0x1000, s3  }
0x7: {  	[tilespmem:s2], [sflag:$0x1] =	stream.linear.gather [hbm4b:s3+s2], $0x40, $0x38;
	[tilespmem:$0x800] =	vst v63  }
0x8: {  	_ =	swait.ge [sflag:s4], $0x40  }
0x9: {  	[sflag:s4] =	ssyncset.done $0x0  }
0xa: {  	s7 =	ssub.s32 $0x2, s6;
	[sflag:s4] =	ssyncadd.s32 $0xFFFFFFC0  }
0xb: {  	s8 =	sshrl.u32 s7, $0x1;
	v0 =	vld [tilespmem:$0x0]  }
0xc: {  	s7 =	ssub.s32 s7, s8  }
0xd: {  	s9 =	smax.u32 s7, $0x1  }
0xe: {  	p0 =	sne.s32 s9, $0x1  }
.Ltmp0:
0xf: {  	_ = 	snop;
	(pc) =	sbr.rel @!p0 .LBB2_2-.Ltmp0, $4  }
0x10: {  	[tilespmem:$0x780] =	vst v0  }
0x11: {  	s6 =	sshll.u32 s6, $0x7;
	[tilespmem:$0x700] =	vst v0  }
0x12: {  	s31 =	sshll.u32 s1, $0x8;
	s5 =	sadd.s32 s5, s6;
	s6 =	simm.s32 $0x2;
	[tilespmem:$0x680] =	vst v0  }
0x13: {  	s5 =	sadd.s32 s31, s5;
	s7 =	simm.s32 $0x400;
	s8 =	sadd.s32 $0xFFFFFFFF, s9;
	[tilespmem:$0x600] =	vst v0  }
.LBB2_1:
0x14: {  	p0 =	sne.s32 s8, $0x1;
	s8 =	sadd.s32 $0xFFFFFFFF, s8;
	[tilespmem:$0x580] =	vst v0  }
0x15: {  	[tilespmem:$0x500] =	vst v0  }
0x16: {  	[tilespmem:$0x400] =	vst v0  }
0x17: {  	[tilespmem:$0x480] =	vst v0  }
0x18: {  	[hbm4b:s5+s2] =	stream.linear.scatter [tilespmem:s7], [sflag:$0x2], $0x400, $0x38;
	[tilespmem:$0x800] =	vst v63  }
0x19: {  	_ =	swait.ge [sflag:s6], $0x400  }
0x1a: {  	[sflag:s6] =	ssyncset.done $0x0  }
0x1b: {  	[sflag:s6] =	ssyncadd.s32 $0xFFFFFC00  }
0x1c: {  	[tilespmem:s2], [sflag:$0x1] =	stream.linear.gather [hbm4b:s3+s2], $0x40, $0x38;
	[tilespmem:$0x800] =	vst v63  }
0x1d: {  	_ =	swait.ge [sflag:s4], $0x40  }
0x1e: {  	[sflag:s4] =	ssyncset.done $0x0  }
0x1f: {  	[sflag:s4] =	ssyncadd.s32 $0xFFFFFFC0  }
0x20: {  	v0 =	vld [tilespmem:$0x0];
	_ =	sdelay $0x3  }
.Ltmp1:
0x21: {  	(pc) =	sbr.rel @p0 .LBB2_1-.Ltmp1, $4  }
0x22: {  	[tilespmem:$0x780] =	vst v0  }
0x23: {  	[tilespmem:$0x700] =	vst v0  }
0x24: {  	[tilespmem:$0x680] =	vst v0  }
0x25: {  	[tilespmem:$0x600] =	vst v0  }
.LBB2_2:
0x26: {  	[tilespmem:$0x580] =	vst v0  }
0x27: {  	[tilespmem:$0x500] =	vst v0  }
0x28: {  	[tilespmem:$0x400] =	vst v0  }
0x29: {  	[tilespmem:$0x480] =	vst v0  }
0x2a: {  	[hbm4b:s5+s2] =	stream.linear.scatter [tilespmem:s7], [sflag:$0x2], $0x400, $0x38;
	[tilespmem:$0x800] =	vst v63  }
0x2b: {  	_ =	swait.ge [sflag:s6], $0x400  }
0x2c: {  	[sflag:s6] =	ssyncset.done $0x0  }
0x2d: {  	[sflag:s6] =	ssyncadd.s32 $0xFFFFFC00  }
0x2e: {  	_ =	sfence.sel $0x180000  }
0x2f: {  	[bflag:$0x0] =	sbarrier.arrive $0xFFFF  }
0x30: {  	p0 =	sne.s32 s1, $0x0;
	_ =	strace $0x90000047  }
0x31: {  	s0 =	sadd.s32 @!p0 $0x100000, s0;
	[bflag:$0x2] =	sbarrier.arrive $0xFFFF  }
0x32: {  	[sflag:s0] =	ssyncadd.tile.s32 @!p0 $0x1;
	_ =	shalt  }
.Lfunc_end2:
_tile_overlayer_lowered:
.L_overlay_start_2:
0x33: {  	(tag) =	ssettag $0x2  }
0x34: {  	s0 =	rddreg [dreg:$0x0];
	s2 =	stileid.u32  }
0x35: {  	s1 =	rddreg [dreg:$0x1];
	p0 =	sne.s32 s2, $0x0  }
0x36: {  	s3 =	rddreg [dreg:$0x2];
	[bflag:$0x3] =	sbarrier.arrive $0xFFFF;
	s2 =	simm.s32 @!p0 $0x1C02  }
0x37: {  	[timem:s3], [sflag:s2] =	dma.local @!p0 [hbm:s0], s1  }
0x38: {  	s0 =	simm.s32 @!p0 $0x2  }
0x39: {  	_ =	swait.ge @!p0 [sflag:s0], s1  }
0x3a: {  	s1 =	ssub.s32 @!p0 $0x0, s1;
	[sflag:s0] =	ssyncset.done @!p0 $0x0  }
0x3b: {  	[sflag:s0] =	ssyncadd.s32 @!p0 s1  }
0x3c: {  	[bflag:$0x3] =	sbarrier.arrive $0xFFFF  }
0x3d: {  	_ =	shalt  }

</sc_bundles>
